<compile_context>
chip_gen: v7x
topology: tpu7x:2x2x1
jax: 0.10.2.dev20260603
libtpu: 0.0.44.dev20260713+nightly
codegen_flags: <defaults>
</compile_context>

<pallas_src>
import functools

import jax
import jax.numpy as jnp
from jax import lax
from jax.experimental import pallas as pl
from jax.experimental.pallas import tpu as pltpu
from jax.experimental.pallas import tpu_sc as plsc

_NUM_FIELDS = 26
_VOCAB = 100000
_EMBED_DIM = 16
_BATCH = 16384

_ROWS = _BATCH * _NUM_FIELDS
_NC = 2
_NS = 16
_NW = _NC * _NS
_PER_W = _ROWS // _NW
_CH = 6656
_NCH = _PER_W // _CH
_LANES = 16


def _body(xf_hbm, tab_hbm, out_hbm, idx_v, rows_v, sem):
    wid = lax.axis_index("s") * _NC + lax.axis_index("c")
    base_w = wid * _PER_W

    pltpu.sync_copy(xf_hbm.at[pl.ds(base_w, _PER_W)], idx_v)
    lane = lax.iota(jnp.int32, _LANES)

    def fix(i, _):
        sl = pl.ds(i * _LANES, _LANES)
        r = (base_w + i * _LANES) + lane
        f = lax.rem(r, _NUM_FIELDS)
        idx_v[sl] = idx_v[sl] + f * _VOCAB
        return 0

    lax.fori_loop(0, _PER_W // _LANES, fix, 0)

    def chunk(c, _):
        base = base_w + c * _CH
        pltpu.async_copy(
            tab_hbm.at[idx_v.at[pl.ds(c * _CH, _CH)]], rows_v, sem
        ).wait()
        pltpu.sync_copy(rows_v, out_hbm.at[pl.ds(base, _CH)])
        return 0

    lax.fori_loop(0, _NCH, chunk, 0)


@functools.partial(jax.jit, static_argnames=())
def _gather(xf, tab):
    mesh = plsc.VectorSubcoreMesh(core_axis_name="c", subcore_axis_name="s")
    return pl.kernel(
        _body,
        out_type=jax.ShapeDtypeStruct((_ROWS, _EMBED_DIM), jnp.float32),
        mesh=mesh,
        compiler_params=pltpu.CompilerParams(use_tc_tiling_on_sc=False),
        scratch_types=[
            pltpu.VMEM((_PER_W,), jnp.int32),
            pltpu.VMEM((_CH, _EMBED_DIM), jnp.float32),
            pltpu.SemaphoreType.DMA,
        ],
    )(xf, tab)


def kernel(x, edge_index, tables):
    del edge_index
    xf = x.reshape(-1).astype(jnp.int32)
    tab = tables.reshape(_NUM_FIELDS * _VOCAB, _EMBED_DIM)
    out = _gather(xf, tab)
    return out.reshape(_BATCH, _NUM_FIELDS * _EMBED_DIM)

# --- scband reference (transcript-rebuilt; emitter-appended) ---
"""Pipeline reference for scband-ctmp-gin-11819749999036 (READ-ONLY COPY).

The authoritative reference and input builder live on the scoring server;
editing this copy changes nothing except your own understanding.
"""

import jax, jax.numpy as jnp
import numpy as np

NUM_FIELDS = 26
VOCAB = 100000
EMBED_DIM = 16
BATCH = 16384
N_EDGES = 262144

def setup_inputs(seed: int = 0) -> dict:
    key = jax.random.key(seed)
    k1, k2, k3 = jax.random.split(key, 3)
    x = jax.random.randint(k1, (BATCH, NUM_FIELDS), 0, VOCAB, dtype=jnp.int64 if jax.config.jax_enable_x64 else jnp.int32)
    edge_index = jax.random.randint(k2, (2, N_EDGES), 0, BATCH, dtype=jnp.int64 if jax.config.jax_enable_x64 else jnp.int32)
    # Per-column embedding tables (EntityEmbeddingBatch3): one table per sparse field,
    # all col_dims equal so we stack into a single [F, V, D] tensor.
    tables = jax.random.normal(k3, (NUM_FIELDS, VOCAB, EMBED_DIM), dtype=jnp.float32) * 0.05
    return {"x": x, "edge_index": edge_index, "tables": tables}

def reference(x, edge_index, tables):
    # EntityEmbeddingBatch3: embed each categorical column with its own table,
    # then concatenate along the feature axis -> [B, F*D].
    # gather per field: emb[b, f, :] = tables[f, x[b, f], :]
    emb = jax.vmap(lambda tab, idx: jnp.take(tab, idx, axis=0), in_axes=(0, 1), out_axes=1)(tables, x)
    x_embedded = emb.reshape(x.shape[0], NUM_FIELDS * EMBED_DIM)
    return x_embedded

if __name__ == "__main__":
    import jax
    _d = setup_inputs()
    print(jax.jit(kernel)(*tuple(_d.values())))

</pallas_src>

<mosaic_0001>
#map = affine_map<(d0, d1) -> (0)>
#map1 = affine_map<(d0, d1) -> (0, 0)>
module attributes {stable_mosaic.version = 14 : i64} {
  func.func @_body(%arg0: i32, %arg1: i32, %arg2: memref<425984xi32, #tpu.memory_space<hbm>>, %arg3: memref<2600000x16xf32, #tpu.memory_space<hbm>>, %arg4: memref<425984x16xf32, #tpu.memory_space<hbm>>, %arg5: memref<13312xi32, #tpu.memory_space<vmem>>, %arg6: memref<6656x16xf32, #tpu.memory_space<vmem>>, %arg7: memref<!tpu.dma_semaphore, #tpu.memory_space<semaphore_mem>>) attributes {dimension_semantics = [#tpu.dimension_semantics<core_parallel>, #tpu.dimension_semantics<subcore_parallel>], iteration_bounds = array<i64: 2, 16>, scalar_prefetch = 0 : i64, scratch_operands = 3 : i64, tpu.core_type = #tpu.core_type<sc_vector_subcore>, window_params = [{transform_indices = #map}, {transform_indices = #map1}, {transform_indices = #map1}]} {
    %mul3A = arith.constant 2 : i32
    %mul3A_0 = arith.muli %arg1, %mul3A : i32
    %add3A = arith.addi %mul3A_0, %arg0 : i32
    %mul3A_1 = arith.constant 13312 : i32
    %mul3A_2 = arith.muli %add3A, %mul3A_1 : i32
    "tpu.region"() ({
      %run_scoped3A = tpu.sem_alloc : memref<!tpu.dma_semaphore, #tpu.memory_space<semaphore_mem>>
      %dma_start3A = tpu.memref_slice %arg2[%mul3A_2] : memref<425984xi32, #tpu.memory_space<hbm>> -> memref<13312xi32, #tpu.memory_space<hbm>>
      %dma_start3A_16 = tpu.memref_slice %arg2[%mul3A_2] : memref<425984xi32, #tpu.memory_space<hbm>> -> memref<13312xi32, #tpu.memory_space<hbm>>
      tpu.enqueue_dma source(%dma_start3A_16 : memref<13312xi32, #tpu.memory_space<hbm>>) target(%arg5 : memref<13312xi32, #tpu.memory_space<vmem>>) target_semaphore(%run_scoped3A : memref<!tpu.dma_semaphore, #tpu.memory_space<semaphore_mem>>)
      %dma_wait3A = tpu.memref_slice %arg2[%mul3A_2] : memref<425984xi32, #tpu.memory_space<hbm>> -> memref<13312xi32, #tpu.memory_space<hbm>>
      %dma_wait3A_17 = tpu.memref_slice %arg2[%mul3A_2] : memref<425984xi32, #tpu.memory_space<hbm>> -> memref<13312xi32, #tpu.memory_space<hbm>>
      tpu.wait_dma2 semaphore(%run_scoped3A : memref<!tpu.dma_semaphore, #tpu.memory_space<semaphore_mem>>) src(%dma_wait3A_17 : memref<13312xi32, #tpu.memory_space<hbm>>) dst(%arg5 : memref<13312xi32, #tpu.memory_space<vmem>>)
      tpu.yield
    }) : () -> ()
    %iota3A = tpu.iota {dimensions = array<i32: 0>} : vector<16xi32>
    %scan3A = arith.constant 0 : i32
    %scan3A_3 = arith.constant 0 : i32
    %scan3A_4 = arith.constant 832 : i32
    %scan3A_5 = arith.addi %scan3A_3, %scan3A_4 : i32
    %scan3A_6 = arith.constant 1 : i32
    %scan3A_7 = scf.for %scan3A_16 = %scan3A_3 to %scan3A_5 step %scan3A_6 iter_args(%scan3A_17 = %scan3A) -> (i32)  : i32 {
      %mul3A_18 = arith.constant 16 : i32
      %mul3A_19 = arith.muli %scan3A_16, %mul3A_18 : i32
      %mul3A_20 = arith.constant 16 : i32
      %mul3A_21 = arith.muli %scan3A_16, %mul3A_20 : i32
      %add3A_22 = arith.addi %mul3A_2, %mul3A_21 : i32
      %add3A_23 = vector.broadcast %add3A_22 : i32 to vector<16xi32>
      %add3A_24 = arith.addi %add3A_23, %iota3A : vector<16xi32>
      %rem3A = arith.constant 26 : i32
      %rem3A_25 = vector.broadcast %rem3A : i32 to vector<16xi32>
      %rem3A_26 = arith.remsi %add3A_24, %rem3A_25 : vector<16xi32>
      %get3A = arith.index_cast %mul3A_19 : i32 to index
      %get3A_27 = tpu.vector_load %arg5[%get3A] {strides = array<i32>} : memref<13312xi32, #tpu.memory_space<vmem>>, vector<16xi32>,
      %get3A_28 = vector.shape_cast %get3A_27 : vector<16xi32> to vector<16xi32>
      %mul3A_29 = arith.constant 100000 : i32
      %mul3A_30 = vector.broadcast %mul3A_29 : i32 to vector<16xi32>
      %mul3A_31 = arith.muli %rem3A_26, %mul3A_30 : vector<16xi32>
      %add3A_32 = arith.addi %get3A_28, %mul3A_31 : vector<16xi32>
      %swap3A = arith.index_cast %mul3A_19 : i32 to index
      %swap3A_33 = tpu.vector_load %arg5[%swap3A] {strides = array<i32>} : memref<13312xi32, #tpu.memory_space<vmem>>, vector<16xi32>,
      %swap3A_34 = vector.shape_cast %swap3A_33 : vector<16xi32> to vector<16xi32>
      %swap3A_35 = vector.shape_cast %add3A_32 : vector<16xi32> to vector<16xi32>
      tpu.vector_store %arg5[%swap3A], %swap3A_35 {strides = array<i32>} : memref<13312xi32, #tpu.memory_space<vmem>>, vector<16xi32>,
      %scan3A_36 = arith.constant 0 : i32
      scf.yield %scan3A_36 : i32
    }
    %scan3A_8 = arith.constant 832 : i32
    %scan3A_9 = arith.constant 0 : i32
    %scan3A_10 = arith.constant 0 : i32
    %scan3A_11 = arith.constant 2 : i32
    %scan3A_12 = arith.addi %scan3A_10, %scan3A_11 : i32
    %scan3A_13 = arith.constant 1 : i32
    %scan3A_14 = scf.for %scan3A_16 = %scan3A_10 to %scan3A_12 step %scan3A_13 iter_args(%scan3A_17 = %scan3A_9) -> (i32)  : i32 {
      %mul3A_18 = arith.constant 6656 : i32
      %mul3A_19 = arith.muli %scan3A_16, %mul3A_18 : i32
      %add3A_20 = arith.addi %mul3A_2, %mul3A_19 : i32
      %mul3A_21 = arith.constant 6656 : i32
      %mul3A_22 = arith.muli %scan3A_16, %mul3A_21 : i32
      %dma_start3A = tpu.memref_slice %arg5[%mul3A_22] : memref<13312xi32, #tpu.memory_space<vmem>> -> memref<6656xi32, #tpu.memory_space<vmem>>
      %dma_start3A_23 = arith.constant 0 : i32
      %dma_start3A_24 = arith.constant 0 : i32
      %dma_start3A_25 = tpu.memref_slice %arg3[%dma_start3A_23, %dma_start3A_24] : memref<2600000x16xf32, #tpu.memory_space<hbm>> -> memref<2600000x16xf32, #tpu.memory_space<hbm>>
      tpu.enqueue_indirect_dma source(%dma_start3A_25 : memref<2600000x16xf32, #tpu.memory_space<hbm>>) target(%arg6 : memref<6656x16xf32, #tpu.memory_space<vmem>>) offsets(%dma_start3A : memref<6656xi32, #tpu.memory_space<vmem>>) semaphore(%arg7 : memref<!tpu.dma_semaphore, #tpu.memory_space<semaphore_mem>>)
      %dma_wait3A = tpu.memref_slice %arg5[%mul3A_22] : memref<13312xi32, #tpu.memory_space<vmem>> -> memref<6656xi32, #tpu.memory_space<vmem>>
      %dma_wait3A_26 = arith.constant 0 : i32
      %dma_wait3A_27 = arith.constant 0 : i32
      %dma_wait3A_28 = tpu.memref_slice %arg3[%dma_wait3A_26, %dma_wait3A_27] : memref<2600000x16xf32, #tpu.memory_space<hbm>> -> memref<2600000x16xf32, #tpu.memory_space<hbm>>
      tpu.wait_indirect_dma semaphore(%arg7 : memref<!tpu.dma_semaphore, #tpu.memory_space<semaphore_mem>>) src(%dma_wait3A_28 : memref<2600000x16xf32, #tpu.memory_space<hbm>>) dst(%arg6 : memref<6656x16xf32, #tpu.memory_space<vmem>>)
      "tpu.region"() ({
        %run_scoped3A = tpu.sem_alloc : memref<!tpu.dma_semaphore, #tpu.memory_space<semaphore_mem>>
        %dma_start3A_30 = arith.constant 0 : i32
        %dma_start3A_31 = tpu.memref_slice %arg4[%add3A_20, %dma_start3A_30] : memref<425984x16xf32, #tpu.memory_space<hbm>> -> memref<6656x16xf32, #tpu.memory_space<hbm>>
        %dma_start3A_32 = arith.constant 0 : i32
        %dma_start3A_33 = tpu.memref_slice %arg4[%add3A_20, %dma_start3A_32] : memref<425984x16xf32, #tpu.memory_space<hbm>> -> memref<6656x16xf32, #tpu.memory_space<hbm>>
        tpu.enqueue_dma source(%arg6 : memref<6656x16xf32, #tpu.memory_space<vmem>>) target(%dma_start3A_33 : memref<6656x16xf32, #tpu.memory_space<hbm>>) target_semaphore(%run_scoped3A : memref<!tpu.dma_semaphore, #tpu.memory_space<semaphore_mem>>)
        %dma_wait3A_34 = arith.constant 0 : i32
        %dma_wait3A_35 = tpu.memref_slice %arg4[%add3A_20, %dma_wait3A_34] : memref<425984x16xf32, #tpu.memory_space<hbm>> -> memref<6656x16xf32, #tpu.memory_space<hbm>>
        %dma_wait3A_36 = arith.constant 0 : i32
        %dma_wait3A_37 = tpu.memref_slice %arg4[%add3A_20, %dma_wait3A_36] : memref<425984x16xf32, #tpu.memory_space<hbm>> -> memref<6656x16xf32, #tpu.memory_space<hbm>>
        tpu.wait_dma2 semaphore(%run_scoped3A : memref<!tpu.dma_semaphore, #tpu.memory_space<semaphore_mem>>) src(%arg6 : memref<6656x16xf32, #tpu.memory_space<vmem>>) dst(%dma_wait3A_37 : memref<6656x16xf32, #tpu.memory_space<hbm>>)
        tpu.yield
      }) : () -> ()
      %scan3A_29 = arith.constant 0 : i32
      scf.yield %scan3A_29 : i32
    }
    %scan3A_15 = arith.constant 2 : i32
    return
  }
}

</mosaic_0001>

<sc_bundles>
// kernel: _gather.3.cloned.1.call-start
scs
__scs_entry_jumppad:
0x0: {  	(pc) =	sbr.rel $0x88, $3  }
0x1: {  	(tag) =	ssettag $0x0;
	lr =	simm.s32 $0x1  }
0x2: {  	[smem:$0x3F9F] =	sst lr;
	_ =	strace $0xD0000000  }
0x3: {  	_ = 	snop  }
0x4: {  	_ = 	snop  }
0x5: {  	_ = 	snop  }
0x6: {  	_ = 	snop  }
0x7: {  	_ = 	snop  }
__scs_overlays_trampoline_lowered:
0x8: {  	[smem:$0x3FAE] =	sst s0  }
0x9: {  	[smem:$0x3FAF] =	sst s1  }
0xa: {  	[smem:$0x3FB0] =	sst s2  }
0xb: {  	[smem:$0x3FB1] =	sst s3  }
0xc: {  	[smem:$0x3FB2] =	sst s4  }
0xd: {  	[smem:$0x3FB3] =	sst s5  }
0xe: {  	[smem:$0x3FB4] =	sst s6  }
0xf: {  	[smem:$0x3FB5] =	sst s7  }
0x10: {  	[smem:$0x3FB6] =	sst s8  }
0x11: {  	[smem:$0x3FB7] =	sst s9;
	s0 =	simm.s32 @!p0 $0x0  }
0x12: {  	s1 =	sld [smem:$0x3F9D];
	s0 =	simm.s32 @p0 $0x1  }
0x13: {  	[smem:$0x3FB8] =	sst s0;
	s0 =	simm.s32 @!p1 $0x0  }
0x14: {  	s2 =	sld [smem:$0x3F9C];
	s0 =	simm.s32 @p1 $0x1  }
0x15: {  	[smem:$0x3FB9] =	sst s0;
	s0 =	simm.s32 @!p2 $0x0  }
0x16: {  	s3 =	sld [smem:$0x3FDB];
	s0 =	simm.s32 @p2 $0x1  }
0x17: {  	s4 =	simm.s32 $0x1BF5;
	[smem:$0x3FBB] =	sst s0  }
0x18: {  	s0 =	sld [smem:$0x3F9E];
	_ =	swait.ge [sflag:s4], $0x0  }
0x19: {  	s7 =	sld [smem:$0x3F9F]  }
0x1a: {  	s8 =	sadd.s32 $0xFFFFE003, lr  }
0x1b: {  	s9 =	sadd.s32 $0xFFFFFEF7, lr;
	s5 =	simm.s32 $0xFFFFFFFF;
	p2 =	slt.u32 s8, $0xFFFFF086  }
0x1c: {  	p1 =	slt.u32 s9, $0xF7A;
	s5 =	simm.s32 @!p2 $0x0  }
0x1d: {  	s5 =	simm.s32 @p1 $0x1;
	p0 =	seq.s32 s7, s2  }
0x1e: {  	s7 =	smul.u32 @!p0 $0xF7A, s2;
	p2 =	seq.s32 @!p0 s5, $0x0  }
0x1f: {  	s9 =	smul.u32 $0xF7A, s1;
	s8 =	simm.s32 @!p0 $0x1BF5;
	p2 =	por !p2, p0  }
0x20: {  	[sflag:s8] =	ssyncset.s32 @!p0 $0xFFFFF086;
	s6 =	sadd.s32 @!p0 s3, s7;
	s7 =	simm.s32 @!p0 $0x108  }
0x21: {  	s3 =	sadd.s32 s3, s9;
	s6 =	sadd.s32 @!p0 $0x88, s6;
	s7 =	simm.s32 @p2 $0x1082  }
0x22: {  	[simem:s7], [sflag:s8] =	dma.local @!p0 [hbm:s6], $0xF7A  }
0x23: {  	s9 =	sor.u32 $0xD0000000, s2;
	s6 =	simm.s32 $0x108;
	_ =	swait.ge @!p0 [sflag:s8], $0x0  }
0x24: {  	s3 =	sadd.s32 $0x88, s3;
	s6 =	simm.s32 @!p1 $0x1082;
	[sflag:s4] =	ssyncset.s32 $0xFFFFF086  }
0x25: {  	[simem:s6], [sflag:s4] =	dma.local [hbm:s3], $0xF7A  }
0x26: {  	[smem:$0x3F9F] =	sst s1;
	(tag) =	ssettag s2;
	_ =	strace s9  }
0x27: {  	s1 =	sld [smem:$0x3FAF]  }
0x28: {  	s2 =	sld [smem:$0x3FB0]  }
0x29: {  	s4 =	sld [smem:$0x3FB2]  }
0x2a: {  	p0 =	seq.s32 s5, $0x0;
	s5 =	sld [smem:$0x3FB3]  }
0x2b: {  	s6 =	sld [smem:$0x3FB4]  }
0x2c: {  	s7 =	sld [smem:$0x3FB5]  }
0x2d: {  	s3 =	simm.s32 $0x108;
	s8 =	sld [smem:$0x3FB6]  }
0x2e: {  	s3 =	simm.s32 @!p0 $0x1082;
	s9 =	sld [smem:$0x3FB7]  }
0x2f: {  	lr =	sadd.s32 s0, s3;
	s0 =	sld [smem:$0x3FAE]  }
0x30: {  	s3 =	sld [smem:$0x3FB1]  }
0x31: {  	[smem:$0x3FBA] =	sst s10  }
0x32: {  	s10 =	sld [smem:$0x3FB8];
	_ =	sdelay $0x3  }
0x33: {  	p0 =	seq.s32 s10, $0x1;
	s10 =	sld [smem:$0x3FBA];
	_ =	sdelay $0x3  }
0x34: {  	[smem:$0x3FBA] =	sst s10  }
0x35: {  	s10 =	sld [smem:$0x3FB9];
	_ =	sdelay $0x3  }
0x36: {  	p1 =	seq.s32 s10, $0x1;
	s10 =	sld [smem:$0x3FBA];
	_ =	sdelay $0x3  }
0x37: {  	[smem:$0x3FBA] =	sst s10  }
0x38: {  	s10 =	sld [smem:$0x3FBB]  }
0x39: {  	_ = 	snop;
	(pc) =	sbr.ind lr, $3  }
0x3a: {  	_ = 	snop  }
0x3b: {  	_ = 	snop  }
0x3c: {  	p2 =	seq.s32 s10, $0x1;
	s10 =	sld [smem:$0x3FBA]  }
0x3d: {  	_ =	shalt  }
0x3e: {  	_ =	shalt  }
0x3f: {  	_ =	shalt  }
0x40: {  	_ =	shalt  }
0x41: {  	_ =	shalt  }
0x42: {  	_ =	shalt  }
0x43: {  	_ =	shalt  }
0x44: {  	_ =	shalt  }
0x45: {  	_ =	shalt  }
0x46: {  	_ =	shalt  }
0x47: {  	_ =	shalt  }
0x48: {  	_ =	shalt  }
0x49: {  	_ =	shalt  }
0x4a: {  	_ =	shalt  }
0x4b: {  	_ =	shalt  }
0x4c: {  	_ =	shalt  }
0x4d: {  	_ =	shalt  }
0x4e: {  	_ =	shalt  }
0x4f: {  	_ =	shalt  }
0x50: {  	_ =	shalt  }
0x51: {  	_ =	shalt  }
0x52: {  	_ =	shalt  }
0x53: {  	_ =	shalt  }
0x54: {  	_ =	shalt  }
0x55: {  	_ =	shalt  }
0x56: {  	_ =	shalt  }
0x57: {  	_ =	shalt  }
0x58: {  	_ =	shalt  }
0x59: {  	_ =	shalt  }
0x5a: {  	_ =	shalt  }
0x5b: {  	_ =	shalt  }
0x5c: {  	_ =	shalt  }
0x5d: {  	_ =	shalt  }
0x5e: {  	_ =	shalt  }
0x5f: {  	_ =	shalt  }
0x60: {  	_ =	shalt  }
0x61: {  	_ =	shalt  }
0x62: {  	_ =	shalt  }
0x63: {  	_ =	shalt  }
0x64: {  	_ =	shalt  }
0x65: {  	_ =	shalt  }
0x66: {  	_ =	shalt  }
0x67: {  	_ =	shalt  }
0x68: {  	_ =	shalt  }
0x69: {  	_ =	shalt  }
0x6a: {  	_ =	shalt  }
0x6b: {  	_ =	shalt  }
0x6c: {  	_ =	shalt  }
0x6d: {  	_ =	shalt  }
0x6e: {  	_ =	shalt  }
0x6f: {  	_ =	shalt  }
0x70: {  	_ =	shalt  }
0x71: {  	_ =	shalt  }
0x72: {  	_ =	shalt  }
0x73: {  	_ =	shalt  }
0x74: {  	_ =	shalt  }
0x75: {  	_ =	shalt  }
0x76: {  	_ =	shalt  }
0x77: {  	_ =	shalt  }
0x78: {  	_ =	shalt  }
0x79: {  	_ =	shalt  }
0x7a: {  	_ =	shalt  }
0x7b: {  	_ =	shalt  }
0x7c: {  	_ =	shalt  }
0x7d: {  	_ =	shalt  }
0x7e: {  	_ =	shalt  }
0x7f: {  	_ =	shalt  }
0x80: {  	_ =	shalt  }
0x81: {  	_ =	shalt  }
0x82: {  	_ =	shalt  }
0x83: {  	_ =	shalt  }
0x84: {  	_ =	shalt  }
0x85: {  	_ =	shalt  }
0x86: {  	_ =	shalt  }
0x87: {  	_ =	shalt  }
.Lfunc_end0:
.L_simem_size_0:
called_computation_lowered:
.L_overlay_start_0:
0x88: {  	s2 =	sld [smem:$0x3FD9]  }
0x89: {  	s3 =	sld [smem:$0x3FFE];
	_ =	sdelay $0x1  }
0x8a: {  	s1 =	srdreg.scid  }
0x8b: {  	s0 =	sand.u32 $0x1, s1  }
0x8c: {  	s17 =	sshll.u32 s0, $0xA;
	s2 =	sadd.s32 s3, s2  }
0x8d: {  	s2 =	sadd.s32 s2, s17  }
0x8e: {  	[smem:$0x3FC6] =	sst s2  }
0x8f: {  	_ = 	snop  }
0x90: {  	s2 =	sld [smem:$0x3FC9]  }
0x91: {  	s18 =	sld [smem:$0x3FD0];
	(tm) =	ssettm $0x1  }
0x92: {  	s4 =	sld [smem:$0x3FFB];
	_ =	sdelay $0x3  }
0x93: {  	_ =	strace s4  }
0x94: {  	s4 =	sld [smem:$0x3FFC];
	_ =	sdelay $0x3  }
0x95: {  	_ =	strace s4  }
0x96: {  	s4 =	sld [smem:$0x3FFD];
	_ =	sdelay $0x3  }
0x97: {  	_ =	strace s4  }
0x98: {  	_ =	strace $0x8FFFFFFF  }
0x99: {  	s19 =	sld [smem:$0x3FDB];
	_ =	sdelay $0x1  }
0x9a: {  	s5 =	simm.s32 $_scs_section_size  }
0x9b: {  	s6 =	simm.s32 $_size__tile_overlayer_lowered;
	s7 =	simm.s32 $_tile_overlayer_lowered  }
0x9c: {  	s22 =	simm.s32 $0x1BFF;
	s21 =	sshll.u32 s7, $0x1;
	s4 =	sadd.s32 s5, s19  }
0x9d: {  	s8 =	simm.s32 $0x0;
	s20 =	sshll.u32 s6, $0x1;
	s6 =	sadd.s32 s21, s4  }
0x9e: {  	[timem:s8], [sflag:s22] =	dma.local [hbm:s6], s20  }
0x9f: {  	_ =	swait.ge [sflag:s22], s20  }
0xa0: {  	s5 =	ssub.s32 $0x0, s20;
	[sflag:s22] =	ssyncset.done $0x0  }
0xa1: {  	[sflag:s22] =	ssyncadd.s32 s5;
	_ =	sdelay $0x1  }
0xa2: {  	s23 =	simm.s32 $0x1B8B  }
0xa3: {  	_ =	swait.ge [sflag:s23], $0x1  }
0xa4: {  	[sflag:s23] =	ssyncset.done $0x0  }
0xa5: {  	s25 =	simm.s32 $0x1B8E;
	s24 =	sld [smem:$0x3FFE];
	[sflag:s23] =	ssyncadd.s32 $0xFFFFFFFF  }
0xa6: {  	s26 =	simm.s32 $execute0_lowered;
	[smem:$0x3FD2] =	sst s25  }
0xa7: {  	s6 =	sshll.u32 s26, $0x1;
	_ =	strace $0x80000046;
	[dreg:$0x1] =	wrdreg $0xFFFFFFFF  }
0xa8: {  	s28 =	simm.s32 $_size_execute0_lowered;
	s4 =	sadd.s32 s4, s6;
	[dreg:$0x0] =	wrdreg $0x0  }
0xa9: {  	s6 =	sshll.u32 s28, $0x1;
	[dreg:$0x2] =	wrdreg s4  }
0xaa: {  	[dreg:$0x3] =	wrdreg s6  }
0xab: {  	[dreg:$0x4] =	wrdreg $0xC0  }
0xac: {  	_ =	task [dreg:s8], $0x5FFFF  }
0xad: {  	[dreg:$0x1] =	wrdreg $0xFFFFFFFF  }
0xae: {  	[dreg:$0x0] =	wrdreg $0x60  }
0xaf: {  	[dreg:$0x2] =	wrdreg s2  }
0xb0: {  	[dreg:$0x3] =	wrdreg s24  }
0xb1: {  	[dreg:$0x4] =	wrdreg s18  }
0xb2: {  	[dreg:$0x5] =	wrdreg $0x9  }
0xb3: {  	_ =	task.clear_ibuf [dreg:s8], $0x6FFFF;
	_ =	strace $0x90000046  }
0xb4: {  	s29 =	simm.s32 $0x9;
	_ =	strace $0x80000048  }
0xb5: {  	_ =	swait.ge [sflag:s29], $0x1  }
0xb6: {  	[sflag:s29] =	ssyncadd.s32 $0xFFFFFFFF  }
0xb7: {  	_ =	strace $0x90000048  }
0xb8: {  	_ =	sfence  }
0xb9: {  	s30 =	sld [smem:$0x0];
	_ =	sdelay $0x2  }
0xba: {  	s31 =	sshll.u32 s1, $0xD;
	s1 =	sshrl.u32 s1, $0x2  }
0xbb: {  	s3 =	sand.u32 $0x4000, s31;
	s1 =	sadd.s32 s1, s30  }
0xbc: {  	s0 =	sor.u32 s3, s0;
	s1 =	sshll.u32 s1, $0x11  }
0xbd: {  	s0 =	sor.u32 s1, s0  }
0xbe: {  	s0 =	sadd.s32 $0x8F2B, s0  }
0xbf: {  	[sflag:s0] =	ssyncadd.remote.s32 $0x1  }
0xc0: {  	_ =	sfence.sel $0xFFFF  }
0xc1: {  	[dreg:$0x0] =	wrdreg $0xFFFFFFFF;
	(pc) =	sbr.abs _section_cstart, $3  }
0xc2: {  	[dreg:$0x1] =	wrdreg $0xFFFFFFFF  }
0xc3: {  	_ =	task.clear_ibuf [dreg:s8], $0x2FFFF;
	_ =	strace $0x9FFFFFFF  }
0xc4: {  	(tm) =	ssettm $0x7FFFFFFF  }
0xc5: {  	_ =	shalt  }
tec
execute0_lowered:
.L_overlay_start_1:
0x0: {  	(tag) =	ssettag $0x1  }
0x1: {  	s5 =	rddreg [dreg:$0x0]  }
0x2: {  	s3 =	rddreg [dreg:$0x1]  }
0x3: {  	s1 =	srdreg.scid;
	s0 =	stileid.u32  }
0x4: {  	s4 =	rddreg [dreg:$0x2];
	s2 =	simm.s32 $0x0;
	s12 =	simm.s32 $0x1  }
0x5: {  	s13 =	simm.s32 $0x0;
	s6 =	sand.u32 $0x1, s1;
	s7 =	sshll.u32 s0, $0x1  }
0x6: {  	s1 =	rddreg [dreg:$0x3];
	s31 =	smul.u32 $0x6800, s0;
	s7 =	sor.u32 s6, s7  }
0x7: {  	[smem:$0x7FF] =	sst s2;
	s8 =	ssub.s32 $0x2, s6;
	s9 =	smul.u32 $0x3400, s7  }
0x8: {  	s3 =	sadd.s32 $0x27AC800, s3;
	s10 =	sshrl.u32 s8, $0x1;
	s7 =	smul.u32 $0x6800, s7  }
0x9: {  	_ =	strace $0x80000047;
	s11 =	smul.u32 $0x3400, s6;
	s8 =	ssub.s32 s8, s10  }
0xa: {  	s10 =	simm.s32 $0x1A00;
	s9 =	sshrl.u32 s9, $0x3;
	s4 =	sadd.s32 s4, s7  }
0xb: {  	s6 =	smax.u32 s8, $0x1;
	s8 =	sadd.s32 s11, s31;
	s11 =	simm.s32 $0x3400  }
0xc: {  	v0 =	vlaneseq.u32;
	s5 =	sadd.s32 s5, s9;
	s7 =	sadd.s32 $0x3400, s4;
	s9 =	simm.s32 $0x2  }
.LBB2_1:
0xd: {  	v1 =	vor.u32 s8, v0  }
0xe: {  	v2 =	vmulhi.u32 $0x4EC4EC4F, v1  }
0xf: {  	[tilespmem:s2], [sflag:$0x2] =	stream.linear.gather [hbm4b:s5+s2], $0x3400, $0x38;
	[tilespmem:$0x1D400] =	vst v63  }
0x10: {  	_ =	swait.ge [sflag:s9], $0x3400;
	v2 =	vshrl.u32 v2, $0x3  }
0x11: {  	[sflag:s9] =	ssyncset.done $0x0;
	v2 =	vmul.u32 $0x1A, v2  }
0x12: {  	s14 =	simm.s32 $0x0;
	[sflag:s9] =	ssyncadd.s32 $0xFFFFCC00  }
0x13: {  	v3 =	vsub.s32 v1, v2;
	v2 =	vld [tilespmem:s14+$0x0];
	_ =	sdelay $0x1  }
0x14: {  	s16 =	sadd.s32 $0x10, s8  }
0x15: {  	s15 =	simm.s32 $0x40;
	s17 =	simm.s32 $0x80;
	v1 =	vor.u32 s16, v0;
	v3 =	vmul.u32 $0x186A0, v3  }
.LBB2_2:
0x16: {  	p0 =	sne.s32 s17, $0xCFC0;
	v4 =	vmulhi.u32 $0x4EC4EC4F, v1  }
0x17: {  	v2 =	vadd.s32 v3, v2  }
.Ltmp0:
0x18: {  	v3 =	vshrl.u32 v4, $0x3;
	[tilespmem:s14+$0x0] =	vst v2;
	s14 =	sshra.s32 s15, $0x2;
	s15 =	smov.u32 s17;
	(pc) =	sbr.rel @p0 .LBB2_2-.Ltmp0, $3  }
0x19: {  	v3 =	vmul.u32 $0x1A, v3;
	v2 =	vld [tilespmem:s14+$0x0];
	_ =	sdelay $0x1  }
0x1a: {  	s16 =	sadd.s32 $0x10, s16;
	v3 =	vsub.s32 v1, v3  }
0x1b: {  	s17 =	sadd.s32 $0x40, s17;
	v1 =	vor.u32 s16, v0;
	v3 =	vmul.u32 $0x186A0, v3  }
0x1c: {  	v4 =	vmulhi.u32 $0x4EC4EC4F, v1  }
0x1d: {  	v2 =	vadd.s32 v3, v2  }
0x1e: {  	s15 =	sshra.s32 s15, $0x2;
	v3 =	vshrl.u32 v4, $0x3;
	[tilespmem:s14+$0x0] =	vst v2  }
0x1f: {  	v2 =	vmul.u32 $0x1A, v3;
	v3 =	vld [tilespmem:s15+$0x0];
	_ =	sdelay $0x1  }
0x20: {  	v1 =	vsub.s32 v1, v2  }
0x21: {  	v1 =	vmul.u32 $0x186A0, v1;
	_ =	sdelay $0x1  }
0x22: {  	v1 =	vadd.s32 v1, v3  }
0x23: {  	[tilespmem:s15+$0x0] =	vst v1  }
0x24: {  	[tilespmem:s11], [sflag:$0x1] =	stream.indirect.gather [hbm4b:s3+s10], $0x10, s2, s10, $0xb8;
	[tilespmem:$0x1D400] =	vst v63  }
0x25: {  	_ =	swait.ge [sflag:s12], $0x1A000  }
0x26: {  	[sflag:s12] =	ssyncset.done $0x0  }
0x27: {  	[sflag:s12] =	ssyncadd.s32 $0xFFFE6000  }
0x28: {  	[hbm4b:s4+s2] =	stream.linear.scatter [tilespmem:s11], [sflag:$0x2], $0x1A000, $0x38;
	[tilespmem:$0x1D400] =	vst v63  }
0x29: {  	_ =	swait.ge [sflag:s9], $0x1A000  }
0x2a: {  	[sflag:s9] =	ssyncset.done $0x0  }
0x2b: {  	[sflag:s9] =	ssyncadd.s32 $0xFFFE6000  }
0x2c: {  	[tilespmem:s11], [sflag:$0x1] =	stream.indirect.gather [hbm4b:s3+s10], $0x10, s10, s10, $0xb8;
	[tilespmem:$0x1D400] =	vst v63  }
0x2d: {  	s13 =	sadd.s32 $0x1, s13;
	_ =	swait.ge [sflag:s12], $0x1A000  }
0x2e: {  	p0 =	sne.s32 s13, s6;
	[sflag:s12] =	ssyncset.done $0x0  }
.Ltmp1:
0x2f: {  	[sflag:s12] =	ssyncadd.s32 $0xFFFE6000;
	(pc) =	sbr.rel @p0 .LBB2_1-.Ltmp1, $4  }
0x30: {  	[hbm4b:s7+s2] =	stream.linear.scatter [tilespmem:s11], [sflag:$0x2], $0x1A000, $0x38;
	[tilespmem:$0x1D400] =	vst v63  }
0x31: {  	_ =	swait.ge [sflag:s9], $0x1A000  }
0x32: {  	[sflag:s9] =	ssyncset.done $0x0  }
0x33: {  	[sflag:s9] =	ssyncadd.s32 $0xFFFE6000  }
0x34: {  	_ =	sfence.sel $0x180000  }
0x35: {  	[bflag:$0x0] =	sbarrier.arrive $0xFFFF  }
0x36: {  	p0 =	sne.s32 s0, $0x0;
	_ =	strace $0x90000047  }
0x37: {  	s0 =	sadd.s32 @!p0 $0x100000, s1;
	[bflag:$0x2] =	sbarrier.arrive $0xFFFF  }
0x38: {  	[sflag:s0] =	ssyncadd.tile.s32 @!p0 $0x1;
	_ =	shalt  }
.Lfunc_end2:
_tile_overlayer_lowered:
.L_overlay_start_2:
0x39: {  	(tag) =	ssettag $0x2  }
0x3a: {  	s0 =	rddreg [dreg:$0x0];
	s2 =	stileid.u32  }
0x3b: {  	s1 =	rddreg [dreg:$0x1];
	p0 =	sne.s32 s2, $0x0  }
0x3c: {  	s3 =	rddreg [dreg:$0x2];
	[bflag:$0x3] =	sbarrier.arrive $0xFFFF;
	s2 =	simm.s32 @!p0 $0x1C02  }
0x3d: {  	[timem:s3], [sflag:s2] =	dma.local @!p0 [hbm:s0], s1  }
0x3e: {  	s0 =	simm.s32 @!p0 $0x2  }
0x3f: {  	_ =	swait.ge @!p0 [sflag:s0], s1  }
0x40: {  	s1 =	ssub.s32 @!p0 $0x0, s1;
	[sflag:s0] =	ssyncset.done @!p0 $0x0  }
0x41: {  	[sflag:s0] =	ssyncadd.s32 @!p0 s1  }
0x42: {  	[bflag:$0x3] =	sbarrier.arrive $0xFFFF  }
0x43: {  	_ =	shalt  }

</sc_bundles>
